<compile_context>
chip_gen: v7x
topology: tpu7x:2x2x1
jax: 0.10.2.dev20260603
libtpu: 0.0.44.dev20260713+nightly
codegen_flags: <defaults>
</compile_context>

<pallas_src>
import functools

import jax
import jax.numpy as jnp
from jax import lax
from jax.experimental import pallas as pl
from jax.experimental.pallas import tpu as pltpu
from jax.experimental.pallas import tpu_sc as plsc

_B = 32
_H = 384
_W = 384
_N = _B * _H * _W

_K_TC = 24
_BB = 4


def _tc_body(sal_ref, fix_ref, out_ref, acc_ref):
    i = pl.program_id(0)
    ni = pl.num_programs(0)

    @pl.when(i == 0)
    def _init():
        acc_ref[...] = jnp.zeros_like(acc_ref)

    s = sal_ref[...]
    f = fix_ref[...]
    m = f > 0.1
    r = _BB * _H // 8
    sb = s.reshape(r, 8, _W)
    fb = jnp.where(m, s, 0.0).reshape(r, 8, _W)
    cb = m.astype(jnp.float32).reshape(r, 8, _W)
    acc_ref[0] += jnp.sum(sb, axis=0)
    acc_ref[1] += jnp.sum(sb * sb, axis=0)
    acc_ref[2] += jnp.sum(fb, axis=0)
    acc_ref[3] += jnp.sum(cb, axis=0)

    @pl.when(i == ni - 1)
    def _fin():
        out_ref[0] = jnp.sum(acc_ref[0])
        out_ref[1] = jnp.sum(acc_ref[1])
        out_ref[2] = jnp.sum(acc_ref[2])
        out_ref[3] = jnp.sum(acc_ref[3])


def _tc_partials(sal_map, fix, k_tc):
    return pl.pallas_call(
        _tc_body,
        grid=(k_tc // _BB,),
        in_specs=[
            pl.BlockSpec((_BB, 1, _H, _W), lambda i: (i, 0, 0, 0)),
            pl.BlockSpec((_BB, 1, _H, _W), lambda i: (i, 0, 0, 0)),
        ],
        out_specs=pl.BlockSpec(memory_space=pltpu.SMEM),
        out_shape=jax.ShapeDtypeStruct((4,), jnp.float32),
        scratch_shapes=[pltpu.VMEM((4, 8, _W), jnp.float32)],
    )(sal_map, fix)


def _sc_partials(sal_map, fix, nimg):
    wp = 32 // nimg
    rows_pw = _H // wp
    img_base = _B - nimg
    chr_ = next(d for d in range(min(96, rows_pw), 0, -1) if rows_pw % d == 0)
    nch = rows_pw // chr_
    mesh = plsc.VectorSubcoreMesh(core_axis_name="c", subcore_axis_name="s")

    @functools.partial(
        pl.kernel,
        mesh=mesh,
        out_type=jax.ShapeDtypeStruct((32, 4, 16), jnp.float32),
        scratch_types=[
            pltpu.VMEM((chr_, _W), jnp.float32),
            pltpu.VMEM((chr_, _W), jnp.float32),
            pltpu.VMEM((4, 16), jnp.float32),
        ],
    )
    def k(sal_hbm, fix_hbm, out_hbm, sal_v, fix_v, acc_v):
        ci = lax.axis_index("c")
        si = lax.axis_index("s")
        w = si * 2 + ci
        img = img_base + w // wp
        r0 = (w % wp) * rows_pw
        zero = jnp.zeros((16,), jnp.float32)
        acc = (zero, zero, zero, zero)
        for ch in range(nch):
            pltpu.sync_copy(sal_hbm.at[img, 0, pl.ds(r0 + ch * chr_, chr_)],
                            sal_v)
            pltpu.sync_copy(fix_hbm.at[img, 0, pl.ds(r0 + ch * chr_, chr_)],
                            fix_v)

            def row_body(r, a):
                a0, a1, a2, a3 = a

                def col_body(cc, b):
                    b0, b1, b2, b3 = b
                    sv = sal_v[r, pl.ds(cc * 16, 16)]
                    fv = fix_v[r, pl.ds(cc * 16, 16)]
                    mv = fv > 0.1
                    b0 = b0 + sv
                    b1 = b1 + sv * sv
                    b2 = b2 + jnp.where(mv, sv, 0.0)
                    b3 = b3 + jnp.where(mv, 1.0, 0.0)
                    return (b0, b1, b2, b3)

                return lax.fori_loop(0, _W // 16, col_body, (a0, a1, a2, a3))

            acc = lax.fori_loop(0, chr_, row_body, acc)
        acc_v[0] = acc[0]
        acc_v[1] = acc[1]
        acc_v[2] = acc[2]
        acc_v[3] = acc[3]
        pltpu.sync_copy(acc_v, out_hbm.at[w])

    return k(sal_map, fix)


def kernel(sal_map, fix):
    nimg = _B - _K_TC
    parts = []
    if nimg > 0:
        sc = _sc_partials(sal_map, fix, nimg)
        parts.append(jnp.sum(sc, axis=(0, 2)))
    if _K_TC > 0:
        parts.append(_tc_partials(sal_map, fix, _K_TC))
    p = parts[0] if len(parts) == 1 else parts[0] + parts[1]
    s1, s2, ms, cnt = p[0], p[1], p[2], p[3]
    n = jnp.float32(_N)
    mean = s1 / n
    var = (s2 - s1 * s1 / n) / (n - 1.0)
    std = jnp.sqrt(var)
    return (ms - cnt * mean) / (std * cnt)

# --- scband reference (transcript-rebuilt; emitter-appended) ---
"""Pipeline reference for scband-nssloss-82265803588206 (READ-ONLY COPY).

The authoritative reference and input builder live on the scoring server;
editing this copy changes nothing except your own understanding.
"""

import jax, jax.numpy as jnp
import numpy as np


def setup_inputs(seed: int = 0) -> dict:
    key = jax.random.key(seed)
    k1, k2 = jax.random.split(key)
    sal_map = jax.random.normal(k1, (32, 1, 384, 384), dtype=jnp.float32)
    fix = jax.random.uniform(k2, (32, 1, 384, 384), dtype=jnp.float32)
    return {"sal_map": sal_map, "fix": fix}


def reference(sal_map, fix):
    # fix = fix > 0.1 (boolean fixation mask)
    mask = fix > 0.1
    # stand_normlize: (x - x.mean()) / x.std()  (torch std is unbiased, ddof=1)
    mean = jnp.mean(sal_map)
    std = jnp.std(sal_map, ddof=1)
    sal_norm = (sal_map - mean) / std
    # sal_map[fix].mean() == sum over masked elements / count of masked elements
    total = jnp.sum(jnp.where(mask, sal_norm, 0.0))
    count = jnp.sum(mask).astype(sal_norm.dtype)
    return total / count

if __name__ == "__main__":
    import jax
    _d = setup_inputs()
    print(jax.jit(kernel)(*tuple(_d.values())))

</pallas_src>

<mosaic_0001>
#map = affine_map<(d0, d1) -> (0, 0, 0, 0)>
#map1 = affine_map<(d0, d1) -> (0, 0, 0)>
module attributes {stable_mosaic.version = 14 : i64} {
  func.func @k(%arg0: i32, %arg1: i32, %arg2: memref<32x1x384x384xf32, #tpu.memory_space<hbm>>, %arg3: memref<32x1x384x384xf32, #tpu.memory_space<hbm>>, %arg4: memref<32x4x16xf32, #tpu.memory_space<hbm>>, %arg5: memref<96x384xf32, #tpu.memory_space<vmem>>, %arg6: memref<96x384xf32, #tpu.memory_space<vmem>>, %arg7: memref<4x16xf32, #tpu.memory_space<vmem>>) attributes {dimension_semantics = [#tpu.dimension_semantics<core_parallel>, #tpu.dimension_semantics<subcore_parallel>], iteration_bounds = array<i64: 2, 16>, scalar_prefetch = 0 : i64, scratch_operands = 3 : i64, tpu.core_type = #tpu.core_type<sc_vector_subcore>, window_params = [{transform_indices = #map}, {transform_indices = #map}, {transform_indices = #map1}]} {
    %mul3A = arith.constant 2 : i32
    %mul3A_0 = arith.muli %arg1, %mul3A : i32
    %add3A = arith.addi %mul3A_0, %arg0 : i32
    %jit3A = arith.constant 4 : i32
    %div3A = arith.divsi %add3A, %jit3A : i32
    %sign3A = arith.constant 0 : i32
    %sign3A_1 = arith.cmpi sgt, %add3A, %sign3A : i32
    %sign3A_2 = arith.extui %sign3A_1 : i1 to i32
    %sign3A_3 = arith.constant 0 : i32
    %sign3A_4 = arith.cmpi slt, %add3A, %sign3A_3 : i32
    %sign3A_5 = arith.extui %sign3A_4 : i1 to i32
    %sign3A_6 = arith.subi %sign3A_2, %sign3A_5 : i32
    %sign3A_7 = arith.constant 0 : i32
    %sign3A_8 = arith.cmpi sgt, %jit3A, %sign3A_7 : i32
    %sign3A_9 = arith.extui %sign3A_8 : i1 to i32
    %sign3A_10 = arith.constant 0 : i32
    %sign3A_11 = arith.cmpi slt, %jit3A, %sign3A_10 : i32
    %sign3A_12 = arith.extui %sign3A_11 : i1 to i32
    %sign3A_13 = arith.subi %sign3A_9, %sign3A_12 : i32
    %ne3A = arith.cmpi ne, %sign3A_6, %sign3A_13 : i32
    %rem3A = arith.remsi %add3A, %jit3A : i32
    %ne3A_14 = arith.constant 0 : i32
    %ne3A_15 = arith.cmpi ne, %rem3A, %ne3A_14 : i32
    %and3A = arith.andi %ne3A, %ne3A_15 : i1
    %sub3A = arith.constant 1 : i32
    %sub3A_16 = arith.subi %div3A, %sub3A : i32
    %select_n3A = arith.select %and3A, %sub3A_16, %div3A : i32
    %add3A_17 = arith.constant 24 : i32
    %add3A_18 = arith.addi %add3A_17, %select_n3A : i32
    %jit3A_19 = arith.constant 4 : i32
    %eq3A = arith.constant 0 : i32
    %eq3A_20 = arith.cmpi eq, %jit3A_19, %eq3A : i32
    %jit3A_21 = arith.constant 1 : i32
    %select_n3A_22 = arith.select %eq3A_20, %jit3A_21, %jit3A_19 : i32
    %rem3A_23 = arith.remsi %add3A, %select_n3A_22 : i32
    %ne3A_24 = arith.constant 0 : i32
    %ne3A_25 = arith.cmpi ne, %rem3A_23, %ne3A_24 : i32
    %lt3A = arith.constant 0 : i32
    %lt3A_26 = arith.cmpi slt, %rem3A_23, %lt3A : i32
    %lt3A_27 = arith.constant 0 : i32
    %lt3A_28 = arith.cmpi slt, %select_n3A_22, %lt3A_27 : i32
    %ne3A_29 = arith.xori %lt3A_26, %lt3A_28 : i1
    %and3A_30 = arith.andi %ne3A_29, %ne3A_25 : i1
    %add3A_31 = arith.addi %rem3A_23, %select_n3A_22 : i32
    %select_n3A_32 = arith.select %and3A_30, %add3A_31, %rem3A_23 : i32
    %mul3A_33 = arith.constant 96 : i32
    %mul3A_34 = arith.muli %select_n3A_32, %mul3A_33 : i32
    %broadcast_in_dim3A = arith.constant 0.000000e+00 : f32
    %broadcast_in_dim3A_35 = vector.broadcast %broadcast_in_dim3A : f32 to vector<16xf32>
    %add3A_36 = arith.constant 0 : i32
    %add3A_37 = arith.addi %mul3A_34, %add3A_36 : i32
    %run_scoped3A = arith.constant 0 : i32
    "tpu.region"() ({
      %run_scoped3A_69 = tpu.sem_alloc : memref<!tpu.dma_semaphore, #tpu.memory_space<semaphore_mem>>
      %dma_start3A = arith.constant 0 : i32
      %dma_start3A_70 = tpu.memref_slice %arg2[%add3A_18, %run_scoped3A, %add3A_37, %dma_start3A] : memref<32x1x384x384xf32, #tpu.memory_space<hbm>> -> memref<1x1x96x384xf32, #tpu.memory_space<hbm>>
      %dma_start3A_71 = tpu.memref_squeeze %dma_start3A_70 : memref<1x1x96x384xf32, #tpu.memory_space<hbm>> -> memref<96x384xf32, #tpu.memory_space<hbm>>
      %dma_start3A_72 = arith.constant 0 : i32
      %dma_start3A_73 = tpu.memref_slice %arg2[%add3A_18, %run_scoped3A, %add3A_37, %dma_start3A_72] : memref<32x1x384x384xf32, #tpu.memory_space<hbm>> -> memref<1x1x96x384xf32, #tpu.memory_space<hbm>>
      %dma_start3A_74 = tpu.memref_squeeze %dma_start3A_73 : memref<1x1x96x384xf32, #tpu.memory_space<hbm>> -> memref<96x384xf32, #tpu.memory_space<hbm>>
      tpu.enqueue_dma source(%dma_start3A_74 : memref<96x384xf32, #tpu.memory_space<hbm>>) target(%arg5 : memref<96x384xf32, #tpu.memory_space<vmem>>) target_semaphore(%run_scoped3A_69 : memref<!tpu.dma_semaphore, #tpu.memory_space<semaphore_mem>>)
      %dma_wait3A = arith.constant 0 : i32
      %dma_wait3A_75 = tpu.memref_slice %arg2[%add3A_18, %run_scoped3A, %add3A_37, %dma_wait3A] : memref<32x1x384x384xf32, #tpu.memory_space<hbm>> -> memref<1x1x96x384xf32, #tpu.memory_space<hbm>>
      %dma_wait3A_76 = tpu.memref_squeeze %dma_wait3A_75 : memref<1x1x96x384xf32, #tpu.memory_space<hbm>> -> memref<96x384xf32, #tpu.memory_space<hbm>>
      %dma_wait3A_77 = arith.constant 0 : i32
      %dma_wait3A_78 = tpu.memref_slice %arg2[%add3A_18, %run_scoped3A, %add3A_37, %dma_wait3A_77] : memref<32x1x384x384xf32, #tpu.memory_space<hbm>> -> memref<1x1x96x384xf32, #tpu.memory_space<hbm>>
      %dma_wait3A_79 = tpu.memref_squeeze %dma_wait3A_78 : memref<1x1x96x384xf32, #tpu.memory_space<hbm>> -> memref<96x384xf32, #tpu.memory_space<hbm>>
      tpu.wait_dma2 semaphore(%run_scoped3A_69 : memref<!tpu.dma_semaphore, #tpu.memory_space<semaphore_mem>>) src(%dma_wait3A_79 : memref<96x384xf32, #tpu.memory_space<hbm>>) dst(%arg5 : memref<96x384xf32, #tpu.memory_space<vmem>>)
      tpu.yield
    }) : () -> ()
    %add3A_38 = arith.constant 0 : i32
    %add3A_39 = arith.addi %mul3A_34, %add3A_38 : i32
    %run_scoped3A_40 = arith.constant 0 : i32
    "tpu.region"() ({
      %run_scoped3A_69 = tpu.sem_alloc : memref<!tpu.dma_semaphore, #tpu.memory_space<semaphore_mem>>
      %dma_start3A = arith.constant 0 : i32
      %dma_start3A_70 = tpu.memref_slice %arg3[%add3A_18, %run_scoped3A_40, %add3A_39, %dma_start3A] : memref<32x1x384x384xf32, #tpu.memory_space<hbm>> -> memref<1x1x96x384xf32, #tpu.memory_space<hbm>>
      %dma_start3A_71 = tpu.memref_squeeze %dma_start3A_70 : memref<1x1x96x384xf32, #tpu.memory_space<hbm>> -> memref<96x384xf32, #tpu.memory_space<hbm>>
      %dma_start3A_72 = arith.constant 0 : i32
      %dma_start3A_73 = tpu.memref_slice %arg3[%add3A_18, %run_scoped3A_40, %add3A_39, %dma_start3A_72] : memref<32x1x384x384xf32, #tpu.memory_space<hbm>> -> memref<1x1x96x384xf32, #tpu.memory_space<hbm>>
      %dma_start3A_74 = tpu.memref_squeeze %dma_start3A_73 : memref<1x1x96x384xf32, #tpu.memory_space<hbm>> -> memref<96x384xf32, #tpu.memory_space<hbm>>
      tpu.enqueue_dma source(%dma_start3A_74 : memref<96x384xf32, #tpu.memory_space<hbm>>) target(%arg6 : memref<96x384xf32, #tpu.memory_space<vmem>>) target_semaphore(%run_scoped3A_69 : memref<!tpu.dma_semaphore, #tpu.memory_space<semaphore_mem>>)
      %dma_wait3A = arith.constant 0 : i32
      %dma_wait3A_75 = tpu.memref_slice %arg3[%add3A_18, %run_scoped3A_40, %add3A_39, %dma_wait3A] : memref<32x1x384x384xf32, #tpu.memory_space<hbm>> -> memref<1x1x96x384xf32, #tpu.memory_space<hbm>>
      %dma_wait3A_76 = tpu.memref_squeeze %dma_wait3A_75 : memref<1x1x96x384xf32, #tpu.memory_space<hbm>> -> memref<96x384xf32, #tpu.memory_space<hbm>>
      %dma_wait3A_77 = arith.constant 0 : i32
      %dma_wait3A_78 = tpu.memref_slice %arg3[%add3A_18, %run_scoped3A_40, %add3A_39, %dma_wait3A_77] : memref<32x1x384x384xf32, #tpu.memory_space<hbm>> -> memref<1x1x96x384xf32, #tpu.memory_space<hbm>>
      %dma_wait3A_79 = tpu.memref_squeeze %dma_wait3A_78 : memref<1x1x96x384xf32, #tpu.memory_space<hbm>> -> memref<96x384xf32, #tpu.memory_space<hbm>>
      tpu.wait_dma2 semaphore(%run_scoped3A_69 : memref<!tpu.dma_semaphore, #tpu.memory_space<semaphore_mem>>) src(%dma_wait3A_79 : memref<96x384xf32, #tpu.memory_space<hbm>>) dst(%arg6 : memref<96x384xf32, #tpu.memory_space<vmem>>)
      tpu.yield
    }) : () -> ()
    %scan3A = arith.constant 0 : i32
    %scan3A_41 = arith.constant 96 : i32
    %scan3A_42 = arith.addi %scan3A, %scan3A_41 : i32
    %scan3A_43 = arith.constant 1 : i32
    %scan3A_44:4 = scf.for %scan3A_69 = %scan3A to %scan3A_42 step %scan3A_43 iter_args(%scan3A_70 = %broadcast_in_dim3A_35, %scan3A_71 = %broadcast_in_dim3A_35, %scan3A_72 = %broadcast_in_dim3A_35, %scan3A_73 = %broadcast_in_dim3A_35) -> (vector<16xf32>, vector<16xf32>, vector<16xf32>, vector<16xf32>)  : i32 {
      %scan3A_74 = arith.constant 0 : i32
      %scan3A_75 = arith.constant 24 : i32
      %scan3A_76 = arith.addi %scan3A_74, %scan3A_75 : i32
      %scan3A_77 = arith.constant 1 : i32
      %scan3A_78:4 = scf.for %scan3A_80 = %scan3A_74 to %scan3A_76 step %scan3A_77 iter_args(%scan3A_81 = %scan3A_70, %scan3A_82 = %scan3A_71, %scan3A_83 = %scan3A_72, %scan3A_84 = %scan3A_73) -> (vector<16xf32>, vector<16xf32>, vector<16xf32>, vector<16xf32>)  : i32 {
        %mul3A_85 = arith.constant 16 : i32
        %mul3A_86 = arith.muli %scan3A_80, %mul3A_85 : i32
        %get3A = arith.index_cast %scan3A_69 : i32 to index
        %get3A_87 = arith.index_cast %mul3A_86 : i32 to index
        %get3A_88 = tpu.vector_load %arg5[%get3A, %get3A_87] {strides = array<i32>} : memref<96x384xf32, #tpu.memory_space<vmem>>, vector<1x16xf32>,
        %get3A_89 = vector.shape_cast %get3A_88 : vector<1x16xf32> to vector<16xf32>
        %mul3A_90 = arith.constant 16 : i32
        %mul3A_91 = arith.muli %scan3A_80, %mul3A_90 : i32
        %get3A_92 = arith.index_cast %scan3A_69 : i32 to index
        %get3A_93 = arith.index_cast %mul3A_91 : i32 to index
        %get3A_94 = tpu.vector_load %arg6[%get3A_92, %get3A_93] {strides = array<i32>} : memref<96x384xf32, #tpu.memory_space<vmem>>, vector<1x16xf32>,
        %get3A_95 = vector.shape_cast %get3A_94 : vector<1x16xf32> to vector<16xf32>
        %gt3A = arith.constant 1.000000e-01 : f32
        %gt3A_96 = vector.broadcast %gt3A : f32 to vector<16xf32>
        %gt3A_97 = arith.cmpf ogt, %get3A_95, %gt3A_96 : vector<16xf32>
        %add3A_98 = arith.addf %scan3A_81, %get3A_89 : vector<16xf32>
        %mul3A_99 = arith.mulf %get3A_89, %get3A_89 : vector<16xf32>
        %add3A_100 = arith.addf %scan3A_82, %mul3A_99 : vector<16xf32>
        %jit3A_101 = arith.constant 0.000000e+00 : f32
        %broadcast_in_dim3A_102 = vector.broadcast %jit3A_101 : f32 to vector<16xf32>
        %select_n3A_103 = arith.select %gt3A_97, %get3A_89, %broadcast_in_dim3A_102 : vector<16xi1>, vector<16xf32>
        %add3A_104 = arith.addf %scan3A_83, %select_n3A_103 : vector<16xf32>
        %jit3A_105 = arith.constant 1.000000e+00 : f32
        %jit3A_106 = arith.constant 0.000000e+00 : f32
        %broadcast_in_dim3A_107 = vector.broadcast %jit3A_105 : f32 to vector<16xf32>
        %broadcast_in_dim3A_108 = vector.broadcast %jit3A_106 : f32 to vector<16xf32>
        %select_n3A_109 = arith.select %gt3A_97, %broadcast_in_dim3A_107, %broadcast_in_dim3A_108 : vector<16xi1>, vector<16xf32>
        %add3A_110 = arith.addf %scan3A_84, %select_n3A_109 : vector<16xf32>
        scf.yield %add3A_98, %add3A_100, %add3A_104, %add3A_110 : vector<16xf32>, vector<16xf32>, vector<16xf32>, vector<16xf32>
      }
      %scan3A_79 = arith.constant 24 : i32
      scf.yield %scan3A_78#0, %scan3A_78#1, %scan3A_78#2, %scan3A_78#3 : vector<16xf32>, vector<16xf32>, vector<16xf32>, vector<16xf32>
    }
    %scan3A_45 = arith.constant 96 : i32
    %swap3A = arith.constant 0 : i32
    %swap3A_46 = arith.index_cast %swap3A : i32 to index
    %swap3A_47 = arith.constant 0 : index
    %swap3A_48 = tpu.vector_load %arg7[%swap3A_46, %swap3A_47] {strides = array<i32>} : memref<4x16xf32, #tpu.memory_space<vmem>>, vector<1x16xf32>,
    %swap3A_49 = vector.shape_cast %swap3A_48 : vector<1x16xf32> to vector<16xf32>
    %swap3A_50 = vector.shape_cast %scan3A_44#0 : vector<16xf32> to vector<1x16xf32>
    tpu.vector_store %arg7[%swap3A_46, %swap3A_47], %swap3A_50 {strides = array<i32>} : memref<4x16xf32, #tpu.memory_space<vmem>>, vector<1x16xf32>,
    %swap3A_51 = arith.constant 1 : i32
    %swap3A_52 = arith.index_cast %swap3A_51 : i32 to index
    %swap3A_53 = arith.constant 0 : index
    %swap3A_54 = tpu.vector_load %arg7[%swap3A_52, %swap3A_53] {strides = array<i32>} : memref<4x16xf32, #tpu.memory_space<vmem>>, vector<1x16xf32>,
    %swap3A_55 = vector.shape_cast %swap3A_54 : vector<1x16xf32> to vector<16xf32>
    %swap3A_56 = vector.shape_cast %scan3A_44#1 : vector<16xf32> to vector<1x16xf32>
    tpu.vector_store %arg7[%swap3A_52, %swap3A_53], %swap3A_56 {strides = array<i32>} : memref<4x16xf32, #tpu.memory_space<vmem>>, vector<1x16xf32>,
    %swap3A_57 = arith.constant 2 : i32
    %swap3A_58 = arith.index_cast %swap3A_57 : i32 to index
    %swap3A_59 = arith.constant 0 : index
    %swap3A_60 = tpu.vector_load %arg7[%swap3A_58, %swap3A_59] {strides = array<i32>} : memref<4x16xf32, #tpu.memory_space<vmem>>, vector<1x16xf32>,
    %swap3A_61 = vector.shape_cast %swap3A_60 : vector<1x16xf32> to vector<16xf32>
    %swap3A_62 = vector.shape_cast %scan3A_44#2 : vector<16xf32> to vector<1x16xf32>
    tpu.vector_store %arg7[%swap3A_58, %swap3A_59], %swap3A_62 {strides = array<i32>} : memref<4x16xf32, #tpu.memory_space<vmem>>, vector<1x16xf32>,
    %swap3A_63 = arith.constant 3 : i32
    %swap3A_64 = arith.index_cast %swap3A_63 : i32 to index
    %swap3A_65 = arith.constant 0 : index
    %swap3A_66 = tpu.vector_load %arg7[%swap3A_64, %swap3A_65] {strides = array<i32>} : memref<4x16xf32, #tpu.memory_space<vmem>>, vector<1x16xf32>,
    %swap3A_67 = vector.shape_cast %swap3A_66 : vector<1x16xf32> to vector<16xf32>
    %swap3A_68 = vector.shape_cast %scan3A_44#3 : vector<16xf32> to vector<1x16xf32>
    tpu.vector_store %arg7[%swap3A_64, %swap3A_65], %swap3A_68 {strides = array<i32>} : memref<4x16xf32, #tpu.memory_space<vmem>>, vector<1x16xf32>,
    "tpu.region"() ({
      %run_scoped3A_69 = tpu.sem_alloc : memref<!tpu.dma_semaphore, #tpu.memory_space<semaphore_mem>>
      %dma_start3A = arith.constant 0 : i32
      %dma_start3A_70 = arith.constant 0 : i32
      %dma_start3A_71 = tpu.memref_slice %arg4[%add3A, %dma_start3A, %dma_start3A_70] : memref<32x4x16xf32, #tpu.memory_space<hbm>> -> memref<1x4x16xf32, #tpu.memory_space<hbm>>
      %dma_start3A_72 = tpu.memref_squeeze %dma_start3A_71 : memref<1x4x16xf32, #tpu.memory_space<hbm>> -> memref<4x16xf32, #tpu.memory_space<hbm>>
      %dma_start3A_73 = arith.constant 0 : i32
      %dma_start3A_74 = arith.constant 0 : i32
      %dma_start3A_75 = tpu.memref_slice %arg4[%add3A, %dma_start3A_73, %dma_start3A_74] : memref<32x4x16xf32, #tpu.memory_space<hbm>> -> memref<1x4x16xf32, #tpu.memory_space<hbm>>
      %dma_start3A_76 = tpu.memref_squeeze %dma_start3A_75 : memref<1x4x16xf32, #tpu.memory_space<hbm>> -> memref<4x16xf32, #tpu.memory_space<hbm>>
      tpu.enqueue_dma source(%arg7 : memref<4x16xf32, #tpu.memory_space<vmem>>) target(%dma_start3A_76 : memref<4x16xf32, #tpu.memory_space<hbm>>) target_semaphore(%run_scoped3A_69 : memref<!tpu.dma_semaphore, #tpu.memory_space<semaphore_mem>>)
      %dma_wait3A = arith.constant 0 : i32
      %dma_wait3A_77 = arith.constant 0 : i32
      %dma_wait3A_78 = tpu.memref_slice %arg4[%add3A, %dma_wait3A, %dma_wait3A_77] : memref<32x4x16xf32, #tpu.memory_space<hbm>> -> memref<1x4x16xf32, #tpu.memory_space<hbm>>
      %dma_wait3A_79 = tpu.memref_squeeze %dma_wait3A_78 : memref<1x4x16xf32, #tpu.memory_space<hbm>> -> memref<4x16xf32, #tpu.memory_space<hbm>>
      %dma_wait3A_80 = arith.constant 0 : i32
      %dma_wait3A_81 = arith.constant 0 : i32
      %dma_wait3A_82 = tpu.memref_slice %arg4[%add3A, %dma_wait3A_80, %dma_wait3A_81] : memref<32x4x16xf32, #tpu.memory_space<hbm>> -> memref<1x4x16xf32, #tpu.memory_space<hbm>>
      %dma_wait3A_83 = tpu.memref_squeeze %dma_wait3A_82 : memref<1x4x16xf32, #tpu.memory_space<hbm>> -> memref<4x16xf32, #tpu.memory_space<hbm>>
      tpu.wait_dma2 semaphore(%run_scoped3A_69 : memref<!tpu.dma_semaphore, #tpu.memory_space<semaphore_mem>>) src(%arg7 : memref<4x16xf32, #tpu.memory_space<vmem>>) dst(%dma_wait3A_83 : memref<4x16xf32, #tpu.memory_space<hbm>>)
      tpu.yield
    }) : () -> ()
    return
  }
}

module attributes {stable_mosaic.version = 14 : i64} {
  func.func @_tc_body(%arg0: i32, %arg1: memref<4x1x384x384xf32, #tpu.memory_space<vmem>>, %arg2: memref<4x1x384x384xf32, #tpu.memory_space<vmem>>, %arg3: memref<4xf32, #tpu.memory_space<smem>>, %arg4: memref<4x8x384xf32, #tpu.memory_space<vmem>>) attributes {dimension_semantics = [#tpu.dimension_semantics<arbitrary>], iteration_bounds = array<i64: 6>, scalar_prefetch = 0 : i64, scratch_operands = 1 : i64, tpu.core_type = #tpu.core_type<tc>, window_params = [{transform_indices = @transform_0, window_bounds = array<i64: 4, 1, 384, 384>}, {transform_indices = @transform_1, window_bounds = array<i64: 4, 1, 384, 384>}, {transform_indices = @transform_2, window_bounds = array<i64: 4>}]} {
    %eq3A = arith.constant 0 : i32
    %eq3A_0 = arith.cmpi eq, %arg0, %eq3A : i32
    %convert_element_type3A = arith.extui %eq3A_0 : i1 to i32
    %cond3A = arith.constant 0 : i32
    %cond3A_1 = arith.cmpi ne, %convert_element_type3A, %cond3A : i32
    scf.if %cond3A_1 {
      %broadcast_in_dim3A_75 = arith.constant 0.000000e+00 : f32
      %broadcast_in_dim3A_76 = vector.broadcast %broadcast_in_dim3A_75 : f32 to vector<4x8x384xf32>
      %swap3A_77 = arith.constant 0 : index
      %swap3A_78 = arith.constant 0 : index
      %swap3A_79 = arith.constant 0 : index
      %swap3A_80 = vector.load %arg4[%swap3A_77, %swap3A_78, %swap3A_79] : memref<4x8x384xf32, #tpu.memory_space<vmem>>, vector<4x8x384xf32>
      tpu.vector_store %arg4[%swap3A_77, %swap3A_78, %swap3A_79], %broadcast_in_dim3A_76 {strides = array<i32>} : memref<4x8x384xf32, #tpu.memory_space<vmem>>, vector<4x8x384xf32>,
    } else {
    }
    %get3A = arith.constant 0 : index
    %get3A_2 = arith.constant 0 : index
    %get3A_3 = arith.constant 0 : index
    %get3A_4 = arith.constant 0 : index
    %get3A_5 = vector.load %arg1[%get3A, %get3A_2, %get3A_3, %get3A_4] : memref<4x1x384x384xf32, #tpu.memory_space<vmem>>, vector<4x1x384x384xf32>
    %get3A_6 = arith.constant 0 : index
    %get3A_7 = arith.constant 0 : index
    %get3A_8 = arith.constant 0 : index
    %get3A_9 = arith.constant 0 : index
    %get3A_10 = vector.load %arg2[%get3A_6, %get3A_7, %get3A_8, %get3A_9] : memref<4x1x384x384xf32, #tpu.memory_space<vmem>>, vector<4x1x384x384xf32>
    %gt3A = arith.constant 1.000000e-01 : f32
    %gt3A_11 = vector.broadcast %gt3A : f32 to vector<4x1x384x384xf32>
    %gt3A_12 = arith.cmpf ogt, %get3A_10, %gt3A_11 : vector<4x1x384x384xf32>
    %reshape3A = vector.shape_cast %get3A_5 : vector<4x1x384x384xf32> to vector<192x8x384xf32>
    %jit3A = arith.constant 0.000000e+00 : f32
    %broadcast_in_dim3A = vector.broadcast %jit3A : f32 to vector<4x1x384x384xf32>
    %select_n3A = arith.select %gt3A_12, %get3A_5, %broadcast_in_dim3A : vector<4x1x384x384xi1>, vector<4x1x384x384xf32>
    %reshape3A_13 = vector.shape_cast %select_n3A : vector<4x1x384x384xf32> to vector<192x8x384xf32>
    %convert_element_type3A_14 = arith.extui %gt3A_12 : vector<4x1x384x384xi1> to vector<4x1x384x384xi32>
    %convert_element_type3A_15 = arith.sitofp %convert_element_type3A_14 : vector<4x1x384x384xi32> to vector<4x1x384x384xf32>
    %reshape3A_16 = vector.shape_cast %convert_element_type3A_15 : vector<4x1x384x384xf32> to vector<192x8x384xf32>
    %get3A_17 = arith.constant 0 : index
    %get3A_18 = arith.constant 0 : index
    %get3A_19 = arith.constant 0 : index
    %get3A_20 = vector.load %arg4[%get3A_17, %get3A_18, %get3A_19] : memref<4x8x384xf32, #tpu.memory_space<vmem>>, vector<1x8x384xf32>
    %get3A_21 = vector.shape_cast %get3A_20 : vector<1x8x384xf32> to vector<8x384xf32>
    %reduce_sum3A = arith.constant dense<0.000000e+00> : vector<8x384xf32>
    %reduce_sum3A_22 = vector.multi_reduction <add>, %reshape3A, %reduce_sum3A [0] : vector<192x8x384xf32> to vector<8x384xf32>
    %add3A = arith.addf %get3A_21, %reduce_sum3A_22 : vector<8x384xf32>
    %swap3A = arith.constant 0 : index
    %swap3A_23 = arith.constant 0 : index
    %swap3A_24 = arith.constant 0 : index
    %swap3A_25 = vector.load %arg4[%swap3A, %swap3A_23, %swap3A_24] : memref<4x8x384xf32, #tpu.memory_space<vmem>>, vector<1x8x384xf32>
    %swap3A_26 = vector.shape_cast %swap3A_25 : vector<1x8x384xf32> to vector<8x384xf32>
    %swap3A_27 = vector.shape_cast %add3A : vector<8x384xf32> to vector<1x8x384xf32>
    tpu.vector_store %arg4[%swap3A, %swap3A_23, %swap3A_24], %swap3A_27 {strides = array<i32>} : memref<4x8x384xf32, #tpu.memory_space<vmem>>, vector<1x8x384xf32>,
    %get3A_28 = arith.constant 1 : index
    %get3A_29 = arith.constant 0 : index
    %get3A_30 = arith.constant 0 : index
    %get3A_31 = vector.load %arg4[%get3A_28, %get3A_29, %get3A_30] : memref<4x8x384xf32, #tpu.memory_space<vmem>>, vector<1x8x384xf32>
    %get3A_32 = vector.shape_cast %get3A_31 : vector<1x8x384xf32> to vector<8x384xf32>
    %mul3A = arith.mulf %reshape3A, %reshape3A : vector<192x8x384xf32>
    %reduce_sum3A_33 = arith.constant dense<0.000000e+00> : vector<8x384xf32>
    %reduce_sum3A_34 = vector.multi_reduction <add>, %mul3A, %reduce_sum3A_33 [0] : vector<192x8x384xf32> to vector<8x384xf32>
    %add3A_35 = arith.addf %get3A_32, %reduce_sum3A_34 : vector<8x384xf32>
    %swap3A_36 = arith.constant 1 : index
    %swap3A_37 = arith.constant 0 : index
    %swap3A_38 = arith.constant 0 : index
    %swap3A_39 = vector.load %arg4[%swap3A_36, %swap3A_37, %swap3A_38] : memref<4x8x384xf32, #tpu.memory_space<vmem>>, vector<1x8x384xf32>
    %swap3A_40 = vector.shape_cast %swap3A_39 : vector<1x8x384xf32> to vector<8x384xf32>
    %swap3A_41 = vector.shape_cast %add3A_35 : vector<8x384xf32> to vector<1x8x384xf32>
    tpu.vector_store %arg4[%swap3A_36, %swap3A_37, %swap3A_38], %swap3A_41 {strides = array<i32>} : memref<4x8x384xf32, #tpu.memory_space<vmem>>, vector<1x8x384xf32>,
    %get3A_42 = arith.constant 2 : index
    %get3A_43 = arith.constant 0 : index
    %get3A_44 = arith.constant 0 : index
    %get3A_45 = vector.load %arg4[%get3A_42, %get3A_43, %get3A_44] : memref<4x8x384xf32, #tpu.memory_space<vmem>>, vector<1x8x384xf32>
    %get3A_46 = vector.shape_cast %get3A_45 : vector<1x8x384xf32> to vector<8x384xf32>
    %reduce_sum3A_47 = arith.constant dense<0.000000e+00> : vector<8x384xf32>
    %reduce_sum3A_48 = vector.multi_reduction <add>, %reshape3A_13, %reduce_sum3A_47 [0] : vector<192x8x384xf32> to vector<8x384xf32>
    %add3A_49 = arith.addf %get3A_46, %reduce_sum3A_48 : vector<8x384xf32>
    %swap3A_50 = arith.constant 2 : index
    %swap3A_51 = arith.constant 0 : index
    %swap3A_52 = arith.constant 0 : index
    %swap3A_53 = vector.load %arg4[%swap3A_50, %swap3A_51, %swap3A_52] : memref<4x8x384xf32, #tpu.memory_space<vmem>>, vector<1x8x384xf32>
    %swap3A_54 = vector.shape_cast %swap3A_53 : vector<1x8x384xf32> to vector<8x384xf32>
    %swap3A_55 = vector.shape_cast %add3A_49 : vector<8x384xf32> to vector<1x8x384xf32>
    tpu.vector_store %arg4[%swap3A_50, %swap3A_51, %swap3A_52], %swap3A_55 {strides = array<i32>} : memref<4x8x384xf32, #tpu.memory_space<vmem>>, vector<1x8x384xf32>,
    %get3A_56 = arith.constant 3 : index
    %get3A_57 = arith.constant 0 : index
    %get3A_58 = arith.constant 0 : index
    %get3A_59 = vector.load %arg4[%get3A_56, %get3A_57, %get3A_58] : memref<4x8x384xf32, #tpu.memory_space<vmem>>, vector<1x8x384xf32>
    %get3A_60 = vector.shape_cast %get3A_59 : vector<1x8x384xf32> to vector<8x384xf32>
    %reduce_sum3A_61 = arith.constant dense<0.000000e+00> : vector<8x384xf32>
    %reduce_sum3A_62 = vector.multi_reduction <add>, %reshape3A_16, %reduce_sum3A_61 [0] : vector<192x8x384xf32> to vector<8x384xf32>
    %add3A_63 = arith.addf %get3A_60, %reduce_sum3A_62 : vector<8x384xf32>
    %swap3A_64 = arith.constant 3 : index
    %swap3A_65 = arith.constant 0 : index
    %swap3A_66 = arith.constant 0 : index
    %swap3A_67 = vector.load %arg4[%swap3A_64, %swap3A_65, %swap3A_66] : memref<4x8x384xf32, #tpu.memory_space<vmem>>, vector<1x8x384xf32>
    %swap3A_68 = vector.shape_cast %swap3A_67 : vector<1x8x384xf32> to vector<8x384xf32>
    %swap3A_69 = vector.shape_cast %add3A_63 : vector<8x384xf32> to vector<1x8x384xf32>
    tpu.vector_store %arg4[%swap3A_64, %swap3A_65, %swap3A_66], %swap3A_69 {strides = array<i32>} : memref<4x8x384xf32, #tpu.memory_space<vmem>>, vector<1x8x384xf32>,
    %eq3A_70 = arith.constant 5 : i32
    %eq3A_71 = arith.cmpi eq, %arg0, %eq3A_70 : i32
    %convert_element_type3A_72 = arith.extui %eq3A_71 : i1 to i32
    %cond3A_73 = arith.constant 0 : i32
    %cond3A_74 = arith.cmpi ne, %convert_element_type3A_72, %cond3A_73 : i32
    scf.if %cond3A_74 {
      %get3A_75 = arith.constant 0 : index
      %get3A_76 = arith.constant 0 : index
      %get3A_77 = arith.constant 0 : index
      %get3A_78 = vector.load %arg4[%get3A_75, %get3A_76, %get3A_77] : memref<4x8x384xf32, #tpu.memory_space<vmem>>, vector<1x8x384xf32>
      %get3A_79 = vector.shape_cast %get3A_78 : vector<1x8x384xf32> to vector<8x384xf32>
      %reduce_sum3A_80 = vector.shape_cast %get3A_79 : vector<8x384xf32> to vector<1x8x384xf32>
      %reduce_sum3A_81 = arith.constant dense<0.000000e+00> : vector<1xf32>
      %reduce_sum3A_82 = vector.multi_reduction <add>, %reduce_sum3A_80, %reduce_sum3A_81 [1, 2] : vector<1x8x384xf32> to vector<1xf32>
      %reduce_sum3A_83 = vector.shape_cast %reduce_sum3A_82 : vector<1xf32> to vector<1x1x1xf32>
      %reduce_sum3A_84 = vector.extract %reduce_sum3A_83[0, 0, 0] : f32 from vector<1x1x1xf32>
      %swap3A_85 = arith.constant 0 : index
      %swap3A_86 = memref.load %arg3[%swap3A_85] : memref<4xf32, #tpu.memory_space<smem>>
      memref.store %reduce_sum3A_84, %arg3[%swap3A_85] : memref<4xf32, #tpu.memory_space<smem>>
      %get3A_87 = arith.constant 1 : index
      %get3A_88 = arith.constant 0 : index
      %get3A_89 = arith.constant 0 : index
      %get3A_90 = vector.load %arg4[%get3A_87, %get3A_88, %get3A_89] : memref<4x8x384xf32, #tpu.memory_space<vmem>>, vector<1x8x384xf32>
      %get3A_91 = vector.shape_cast %get3A_90 : vector<1x8x384xf32> to vector<8x384xf32>
      %reduce_sum3A_92 = vector.shape_cast %get3A_91 : vector<8x384xf32> to vector<1x8x384xf32>
      %reduce_sum3A_93 = arith.constant dense<0.000000e+00> : vector<1xf32>
      %reduce_sum3A_94 = vector.multi_reduction <add>, %reduce_sum3A_92, %reduce_sum3A_93 [1, 2] : vector<1x8x384xf32> to vector<1xf32>
      %reduce_sum3A_95 = vector.shape_cast %reduce_sum3A_94 : vector<1xf32> to vector<1x1x1xf32>
      %reduce_sum3A_96 = vector.extract %reduce_sum3A_95[0, 0, 0] : f32 from vector<1x1x1xf32>
      %swap3A_97 = arith.constant 1 : index
      %swap3A_98 = memref.load %arg3[%swap3A_97] : memref<4xf32, #tpu.memory_space<smem>>
      memref.store %reduce_sum3A_96, %arg3[%swap3A_97] : memref<4xf32, #tpu.memory_space<smem>>
      %get3A_99 = arith.constant 2 : index
      %get3A_100 = arith.constant 0 : index
      %get3A_101 = arith.constant 0 : index
      %get3A_102 = vector.load %arg4[%get3A_99, %get3A_100, %get3A_101] : memref<4x8x384xf32, #tpu.memory_space<vmem>>, vector<1x8x384xf32>
      %get3A_103 = vector.shape_cast %get3A_102 : vector<1x8x384xf32> to vector<8x384xf32>
      %reduce_sum3A_104 = vector.shape_cast %get3A_103 : vector<8x384xf32> to vector<1x8x384xf32>
      %reduce_sum3A_105 = arith.constant dense<0.000000e+00> : vector<1xf32>
      %reduce_sum3A_106 = vector.multi_reduction <add>, %reduce_sum3A_104, %reduce_sum3A_105 [1, 2] : vector<1x8x384xf32> to vector<1xf32>
      %reduce_sum3A_107 = vector.shape_cast %reduce_sum3A_106 : vector<1xf32> to vector<1x1x1xf32>
      %reduce_sum3A_108 = vector.extract %reduce_sum3A_107[0, 0, 0] : f32 from vector<1x1x1xf32>
      %swap3A_109 = arith.constant 2 : index
      %swap3A_110 = memref.load %arg3[%swap3A_109] : memref<4xf32, #tpu.memory_space<smem>>
      memref.store %reduce_sum3A_108, %arg3[%swap3A_109] : memref<4xf32, #tpu.memory_space<smem>>
      %get3A_111 = arith.constant 3 : index
      %get3A_112 = arith.constant 0 : index
      %get3A_113 = arith.constant 0 : index
      %get3A_114 = vector.load %arg4[%get3A_111, %get3A_112, %get3A_113] : memref<4x8x384xf32, #tpu.memory_space<vmem>>, vector<1x8x384xf32>
      %get3A_115 = vector.shape_cast %get3A_114 : vector<1x8x384xf32> to vector<8x384xf32>
      %reduce_sum3A_116 = vector.shape_cast %get3A_115 : vector<8x384xf32> to vector<1x8x384xf32>
      %reduce_sum3A_117 = arith.constant dense<0.000000e+00> : vector<1xf32>
      %reduce_sum3A_118 = vector.multi_reduction <add>, %reduce_sum3A_116, %reduce_sum3A_117 [1, 2] : vector<1x8x384xf32> to vector<1xf32>
      %reduce_sum3A_119 = vector.shape_cast %reduce_sum3A_118 : vector<1xf32> to vector<1x1x1xf32>
      %reduce_sum3A_120 = vector.extract %reduce_sum3A_119[0, 0, 0] : f32 from vector<1x1x1xf32>
      %swap3A_121 = arith.constant 3 : index
      %swap3A_122 = memref.load %arg3[%swap3A_121] : memref<4xf32, #tpu.memory_space<smem>>
      memref.store %reduce_sum3A_120, %arg3[%swap3A_121] : memref<4xf32, #tpu.memory_space<smem>>
    } else {
    }
    return
  }
  func.func @transform_0(%arg0: i32) -> (i32, i32, i32, i32) {
    %c0_i32 = arith.constant 0 : i32
    %c0_i32_0 = arith.constant 0 : i32
    %c0_i32_1 = arith.constant 0 : i32
    %c0_i32_2 = arith.constant 0 : i32
    return %arg0, %c0_i32, %c0_i32_0, %c0_i32_1 : i32, i32, i32, i32
  }
  func.func @transform_1(%arg0: i32) -> (i32, i32, i32, i32) {
    %c0_i32 = arith.constant 0 : i32
    %c0_i32_0 = arith.constant 0 : i32
    %c0_i32_1 = arith.constant 0 : i32
    %c0_i32_2 = arith.constant 0 : i32
    return %arg0, %c0_i32, %c0_i32_0, %c0_i32_1 : i32, i32, i32, i32
  }
  func.func @transform_2(%arg0: i32) -> i32 {
    %c0_i32 = arith.constant 0 : i32
    %c0_i32_0 = arith.constant 0 : i32
    return %c0_i32 : i32
  }
}

</mosaic_0001>

<sc_bundles>
// kernel: kernel.4.cloned.1.call-start
scs
__scs_entry_jumppad:
0x0: {  	(pc) =	sbr.rel $0x88, $3  }
0x1: {  	(tag) =	ssettag $0x0;
	lr =	simm.s32 $0x1  }
0x2: {  	[smem:$0x3F9F] =	sst lr;
	_ =	strace $0xD0000000  }
0x3: {  	_ = 	snop  }
0x4: {  	_ = 	snop  }
0x5: {  	_ = 	snop  }
0x6: {  	_ = 	snop  }
0x7: {  	_ = 	snop  }
__scs_overlays_trampoline_lowered:
0x8: {  	[smem:$0x3FAE] =	sst s0  }
0x9: {  	[smem:$0x3FAF] =	sst s1  }
0xa: {  	[smem:$0x3FB0] =	sst s2  }
0xb: {  	[smem:$0x3FB1] =	sst s3  }
0xc: {  	[smem:$0x3FB2] =	sst s4  }
0xd: {  	[smem:$0x3FB3] =	sst s5  }
0xe: {  	[smem:$0x3FB4] =	sst s6  }
0xf: {  	[smem:$0x3FB5] =	sst s7  }
0x10: {  	[smem:$0x3FB6] =	sst s8  }
0x11: {  	[smem:$0x3FB7] =	sst s9;
	s0 =	simm.s32 @!p0 $0x0  }
0x12: {  	s1 =	sld [smem:$0x3F9D];
	s0 =	simm.s32 @p0 $0x1  }
0x13: {  	[smem:$0x3FB8] =	sst s0;
	s0 =	simm.s32 @!p1 $0x0  }
0x14: {  	s2 =	sld [smem:$0x3F9C];
	s0 =	simm.s32 @p1 $0x1  }
0x15: {  	[smem:$0x3FB9] =	sst s0;
	s0 =	simm.s32 @!p2 $0x0  }
0x16: {  	s3 =	sld [smem:$0x3FDB];
	s0 =	simm.s32 @p2 $0x1  }
0x17: {  	s4 =	simm.s32 $0x1BF5;
	[smem:$0x3FBB] =	sst s0  }
0x18: {  	s0 =	sld [smem:$0x3F9E];
	_ =	swait.ge [sflag:s4], $0x0  }
0x19: {  	s7 =	sld [smem:$0x3F9F]  }
0x1a: {  	s8 =	sadd.s32 $0xFFFFE003, lr  }
0x1b: {  	s9 =	sadd.s32 $0xFFFFFEF7, lr;
	s5 =	simm.s32 $0xFFFFFFFF;
	p2 =	slt.u32 s8, $0xFFFFF086  }
0x1c: {  	p1 =	slt.u32 s9, $0xF7A;
	s5 =	simm.s32 @!p2 $0x0  }
0x1d: {  	s5 =	simm.s32 @p1 $0x1;
	p0 =	seq.s32 s7, s2  }
0x1e: {  	s7 =	smul.u32 @!p0 $0xF7A, s2;
	p2 =	seq.s32 @!p0 s5, $0x0  }
0x1f: {  	s9 =	smul.u32 $0xF7A, s1;
	s8 =	simm.s32 @!p0 $0x1BF5;
	p2 =	por !p2, p0  }
0x20: {  	[sflag:s8] =	ssyncset.s32 @!p0 $0xFFFFF086;
	s6 =	sadd.s32 @!p0 s3, s7;
	s7 =	simm.s32 @!p0 $0x108  }
0x21: {  	s3 =	sadd.s32 s3, s9;
	s6 =	sadd.s32 @!p0 $0x88, s6;
	s7 =	simm.s32 @p2 $0x1082  }
0x22: {  	[simem:s7], [sflag:s8] =	dma.local @!p0 [hbm:s6], $0xF7A  }
0x23: {  	s9 =	sor.u32 $0xD0000000, s2;
	s6 =	simm.s32 $0x108;
	_ =	swait.ge @!p0 [sflag:s8], $0x0  }
0x24: {  	s3 =	sadd.s32 $0x88, s3;
	s6 =	simm.s32 @!p1 $0x1082;
	[sflag:s4] =	ssyncset.s32 $0xFFFFF086  }
0x25: {  	[simem:s6], [sflag:s4] =	dma.local [hbm:s3], $0xF7A  }
0x26: {  	[smem:$0x3F9F] =	sst s1;
	(tag) =	ssettag s2;
	_ =	strace s9  }
0x27: {  	s1 =	sld [smem:$0x3FAF]  }
0x28: {  	s2 =	sld [smem:$0x3FB0]  }
0x29: {  	s4 =	sld [smem:$0x3FB2]  }
0x2a: {  	p0 =	seq.s32 s5, $0x0;
	s5 =	sld [smem:$0x3FB3]  }
0x2b: {  	s6 =	sld [smem:$0x3FB4]  }
0x2c: {  	s7 =	sld [smem:$0x3FB5]  }
0x2d: {  	s3 =	simm.s32 $0x108;
	s8 =	sld [smem:$0x3FB6]  }
0x2e: {  	s3 =	simm.s32 @!p0 $0x1082;
	s9 =	sld [smem:$0x3FB7]  }
0x2f: {  	lr =	sadd.s32 s0, s3;
	s0 =	sld [smem:$0x3FAE]  }
0x30: {  	s3 =	sld [smem:$0x3FB1]  }
0x31: {  	[smem:$0x3FBA] =	sst s10  }
0x32: {  	s10 =	sld [smem:$0x3FB8];
	_ =	sdelay $0x3  }
0x33: {  	p0 =	seq.s32 s10, $0x1;
	s10 =	sld [smem:$0x3FBA];
	_ =	sdelay $0x3  }
0x34: {  	[smem:$0x3FBA] =	sst s10  }
0x35: {  	s10 =	sld [smem:$0x3FB9];
	_ =	sdelay $0x3  }
0x36: {  	p1 =	seq.s32 s10, $0x1;
	s10 =	sld [smem:$0x3FBA];
	_ =	sdelay $0x3  }
0x37: {  	[smem:$0x3FBA] =	sst s10  }
0x38: {  	s10 =	sld [smem:$0x3FBB]  }
0x39: {  	_ = 	snop;
	(pc) =	sbr.ind lr, $3  }
0x3a: {  	_ = 	snop  }
0x3b: {  	_ = 	snop  }
0x3c: {  	p2 =	seq.s32 s10, $0x1;
	s10 =	sld [smem:$0x3FBA]  }
0x3d: {  	_ =	shalt  }
0x3e: {  	_ =	shalt  }
0x3f: {  	_ =	shalt  }
0x40: {  	_ =	shalt  }
0x41: {  	_ =	shalt  }
0x42: {  	_ =	shalt  }
0x43: {  	_ =	shalt  }
0x44: {  	_ =	shalt  }
0x45: {  	_ =	shalt  }
0x46: {  	_ =	shalt  }
0x47: {  	_ =	shalt  }
0x48: {  	_ =	shalt  }
0x49: {  	_ =	shalt  }
0x4a: {  	_ =	shalt  }
0x4b: {  	_ =	shalt  }
0x4c: {  	_ =	shalt  }
0x4d: {  	_ =	shalt  }
0x4e: {  	_ =	shalt  }
0x4f: {  	_ =	shalt  }
0x50: {  	_ =	shalt  }
0x51: {  	_ =	shalt  }
0x52: {  	_ =	shalt  }
0x53: {  	_ =	shalt  }
0x54: {  	_ =	shalt  }
0x55: {  	_ =	shalt  }
0x56: {  	_ =	shalt  }
0x57: {  	_ =	shalt  }
0x58: {  	_ =	shalt  }
0x59: {  	_ =	shalt  }
0x5a: {  	_ =	shalt  }
0x5b: {  	_ =	shalt  }
0x5c: {  	_ =	shalt  }
0x5d: {  	_ =	shalt  }
0x5e: {  	_ =	shalt  }
0x5f: {  	_ =	shalt  }
0x60: {  	_ =	shalt  }
0x61: {  	_ =	shalt  }
0x62: {  	_ =	shalt  }
0x63: {  	_ =	shalt  }
0x64: {  	_ =	shalt  }
0x65: {  	_ =	shalt  }
0x66: {  	_ =	shalt  }
0x67: {  	_ =	shalt  }
0x68: {  	_ =	shalt  }
0x69: {  	_ =	shalt  }
0x6a: {  	_ =	shalt  }
0x6b: {  	_ =	shalt  }
0x6c: {  	_ =	shalt  }
0x6d: {  	_ =	shalt  }
0x6e: {  	_ =	shalt  }
0x6f: {  	_ =	shalt  }
0x70: {  	_ =	shalt  }
0x71: {  	_ =	shalt  }
0x72: {  	_ =	shalt  }
0x73: {  	_ =	shalt  }
0x74: {  	_ =	shalt  }
0x75: {  	_ =	shalt  }
0x76: {  	_ =	shalt  }
0x77: {  	_ =	shalt  }
0x78: {  	_ =	shalt  }
0x79: {  	_ =	shalt  }
0x7a: {  	_ =	shalt  }
0x7b: {  	_ =	shalt  }
0x7c: {  	_ =	shalt  }
0x7d: {  	_ =	shalt  }
0x7e: {  	_ =	shalt  }
0x7f: {  	_ =	shalt  }
0x80: {  	_ =	shalt  }
0x81: {  	_ =	shalt  }
0x82: {  	_ =	shalt  }
0x83: {  	_ =	shalt  }
0x84: {  	_ =	shalt  }
0x85: {  	_ =	shalt  }
0x86: {  	_ =	shalt  }
0x87: {  	_ =	shalt  }
.Lfunc_end0:
.L_simem_size_0:
called_computation_lowered:
.L_overlay_start_0:
0x88: {  	s2 =	sld [smem:$0x3FD9]  }
0x89: {  	s3 =	sld [smem:$0x3FFE];
	_ =	sdelay $0x1  }
0x8a: {  	s1 =	srdreg.scid  }
0x8b: {  	s0 =	sand.u32 $0x1, s1  }
0x8c: {  	s17 =	sshll.u32 s0, $0xA;
	s2 =	sadd.s32 s3, s2  }
0x8d: {  	s2 =	sadd.s32 s2, s17  }
0x8e: {  	[smem:$0x3FC6] =	sst s2  }
0x8f: {  	_ = 	snop  }
0x90: {  	s2 =	sld [smem:$0x3FC9]  }
0x91: {  	s18 =	sld [smem:$0x3FC8];
	(tm) =	ssettm $0x1  }
0x92: {  	s4 =	sld [smem:$0x3FFB];
	_ =	sdelay $0x3  }
0x93: {  	_ =	strace s4  }
0x94: {  	s4 =	sld [smem:$0x3FFC];
	_ =	sdelay $0x3  }
0x95: {  	_ =	strace s4  }
0x96: {  	s4 =	sld [smem:$0x3FFD];
	_ =	sdelay $0x3  }
0x97: {  	_ =	strace s4  }
0x98: {  	_ =	strace $0x8FFFFFFF  }
0x99: {  	s19 =	sld [smem:$0x3FDB];
	_ =	sdelay $0x1  }
0x9a: {  	s5 =	simm.s32 $_scs_section_size  }
0x9b: {  	s6 =	simm.s32 $_size__tile_overlayer_lowered;
	s7 =	simm.s32 $_tile_overlayer_lowered  }
0x9c: {  	s22 =	simm.s32 $0x1BFF;
	s21 =	sshll.u32 s7, $0x1;
	s4 =	sadd.s32 s5, s19  }
0x9d: {  	s8 =	simm.s32 $0x0;
	s20 =	sshll.u32 s6, $0x1;
	s6 =	sadd.s32 s21, s4  }
0x9e: {  	[timem:s8], [sflag:s22] =	dma.local [hbm:s6], s20  }
0x9f: {  	_ =	swait.ge [sflag:s22], s20  }
0xa0: {  	s5 =	ssub.s32 $0x0, s20;
	[sflag:s22] =	ssyncset.done $0x0  }
0xa1: {  	[sflag:s22] =	ssyncadd.s32 s5;
	_ =	sdelay $0x1  }
0xa2: {  	s23 =	simm.s32 $0x1B8B  }
0xa3: {  	_ =	swait.ge [sflag:s23], $0x1  }
0xa4: {  	[sflag:s23] =	ssyncset.done $0x0  }
0xa5: {  	s25 =	simm.s32 $0x1B8E;
	s24 =	sld [smem:$0x3FFE];
	[sflag:s23] =	ssyncadd.s32 $0xFFFFFFFF  }
0xa6: {  	s26 =	simm.s32 $execute0_lowered;
	[smem:$0x3FD2] =	sst s25  }
0xa7: {  	s6 =	sshll.u32 s26, $0x1;
	_ =	strace $0x80000046;
	[dreg:$0x1] =	wrdreg $0xFFFFFFFF  }
0xa8: {  	s28 =	simm.s32 $_size_execute0_lowered;
	s4 =	sadd.s32 s4, s6;
	[dreg:$0x0] =	wrdreg $0x0  }
0xa9: {  	s6 =	sshll.u32 s28, $0x1;
	[dreg:$0x2] =	wrdreg s4  }
0xaa: {  	[dreg:$0x3] =	wrdreg s6  }
0xab: {  	[dreg:$0x4] =	wrdreg $0xC0  }
0xac: {  	_ =	task [dreg:s8], $0x5FFFF  }
0xad: {  	[dreg:$0x1] =	wrdreg $0xFFFFFFFF  }
0xae: {  	[dreg:$0x0] =	wrdreg $0x60  }
0xaf: {  	[dreg:$0x2] =	wrdreg s2  }
0xb0: {  	[dreg:$0x3] =	wrdreg s18  }
0xb1: {  	[dreg:$0x4] =	wrdreg s24  }
0xb2: {  	[dreg:$0x5] =	wrdreg $0x9  }
0xb3: {  	_ =	task.clear_ibuf [dreg:s8], $0x6FFFF;
	_ =	strace $0x90000046  }
0xb4: {  	s29 =	simm.s32 $0x9;
	_ =	strace $0x80000048  }
0xb5: {  	_ =	swait.ge [sflag:s29], $0x1  }
0xb6: {  	[sflag:s29] =	ssyncadd.s32 $0xFFFFFFFF  }
0xb7: {  	_ =	strace $0x90000048  }
0xb8: {  	_ =	sfence  }
0xb9: {  	s30 =	sld [smem:$0x0];
	_ =	sdelay $0x2  }
0xba: {  	s31 =	sshll.u32 s1, $0xD;
	s1 =	sshrl.u32 s1, $0x2  }
0xbb: {  	s3 =	sand.u32 $0x4000, s31;
	s1 =	sadd.s32 s1, s30  }
0xbc: {  	s0 =	sor.u32 s3, s0;
	s1 =	sshll.u32 s1, $0x11  }
0xbd: {  	s0 =	sor.u32 s1, s0  }
0xbe: {  	s0 =	sadd.s32 $0x8F2B, s0  }
0xbf: {  	[sflag:s0] =	ssyncadd.remote.s32 $0x1  }
0xc0: {  	_ =	sfence.sel $0xFFFF  }
0xc1: {  	[dreg:$0x0] =	wrdreg $0xFFFFFFFF;
	(pc) =	sbr.abs _section_cstart, $3  }
0xc2: {  	[dreg:$0x1] =	wrdreg $0xFFFFFFFF  }
0xc3: {  	_ =	task.clear_ibuf [dreg:s8], $0x2FFFF;
	_ =	strace $0x9FFFFFFF  }
0xc4: {  	(tm) =	ssettm $0x7FFFFFFF  }
0xc5: {  	_ =	shalt  }
tec
execute0_lowered:
.L_overlay_start_1:
0x0: {  	(tag) =	ssettag $0x1  }
0x1: {  	s1 =	srdreg.scid  }
0x2: {  	s0 =	stileid.u32;
	s3 =	rddreg [dreg:$0x0]  }
0x3: {  	s5 =	rddreg [dreg:$0x1];
	s4 =	sand.u32 $0x1, s1;
	s29 =	sshll.u32 s0, $0x1  }
0x4: {  	s7 =	rddreg [dreg:$0x2];
	s30 =	sshrl.u32 s0, $0x1;
	s6 =	sor.u32 s4, s29  }
0x5: {  	s2 =	simm.s32 $0x0;
	s9 =	smul.u32 $0x24000, s30;
	s8 =	sand.u32 $0x3, s6  }
0x6: {  	[smem:$0x7FF] =	sst s2;
	s8 =	smul.u32 $0x9000, s8  }
0x7: {  	s10 =	simm.s32 $0x0;
	s1 =	rddreg [dreg:$0x3];
	_ =	strace $0x80000047  }
0x8: {  	s4 =	ssub.s32 $0x2, s4;
	s6 =	sshll.u32 s6, $0x6;
	s8 =	sadd.s32 s8, s9  }
0x9: {  	s31 =	sshrl.u32 s4, $0x1;
	s6 =	sadd.s32 s6, s7;
	s8 =	sshrl.u32 s8, $0x3  }
0xa: {  	s7 =	ssub.s32 s4, s31;
	s9 =	simm.s32 $0x12000;
	s8 =	sadd.s32 $0x6C000, s8  }
0xb: {  	s3 =	sadd.s32 s3, s8;
	s4 =	sadd.s32 s5, s8;
	s5 =	sadd.s32 $0x400, s6  }
0xc: {  	v0 =	vimm.f32 $0.0e+00;
	s6 =	smax.u32 s7, $0x1;
	s7 =	simm.s32 $0x1;
	s8 =	simm.s32 $0x9000  }
.LBB2_1:
0xd: {  	[tilespmem:s2], [sflag:$0x1] =	stream.linear.gather [hbm4b:s3+s2], $0x9000, $0x38;
	[tilespmem:$0x12200] =	vst v63  }
0xe: {  	_ =	swait.ge [sflag:s7], $0x9000  }
0xf: {  	[sflag:s7] =	ssyncset.done $0x0  }
0x10: {  	[sflag:s7] =	ssyncadd.s32 $0xFFFF7000  }
0x11: {  	[tilespmem:s8], [sflag:$0x1] =	stream.linear.gather [hbm4b:s4+s2], $0x9000, $0x38;
	[tilespmem:$0x12200] =	vst v63  }
0x12: {  	_ =	swait.ge [sflag:s7], $0x9000  }
0x13: {  	v1 =	vimm.f32 $0.0e+00;
	[sflag:s7] =	ssyncset.done $0x0  }
0x14: {  	v2 =	vimm.f32 $0.0e+00;
	v3 =	vimm.f32 $0.0e+00;
	v4 =	vimm.f32 $0.0e+00;
	s11 =	simm.s32 $0x0;
	[sflag:s7] =	ssyncadd.s32 $0xFFFF7000  }
.LBB2_2:
0x15: {  	s12 =	sshrl.u32 s11, $0x3  }
0x16: {  	s13 =	sshll.u32 s11, $0x7;
	s12 =	smul.u32 $0xC00, s12  }
0x17: {  	s14 =	simm.s32 $0x0;
	s13 =	sand.u32 $0x380, s13  }
0x18: {  	s31 =	sand.u32 $0xC00, s14;
	s12 =	sor.u32 s13, s12  }
0x19: {  	s14 =	sand.u32 $0x70, s14;
	s13 =	sadd.s32 s12, s31  }
0x1a: {  	s14 =	sor.u32 s14, s13  }
0x1b: {  	v6 =	vld [tilespmem:s14+$0x9000]  }
0x1c: {  	s13 =	simm.s32 $0x10;
	v5 =	vld [tilespmem:s14+$0x0];
	s14 =	simm.s32 $0x80  }
.LBB2_3:
0x1d: {  	s15 =	sand.u32 $0xC00, s14  }
0x1e: {  	p0 =	sne.s32 s13, $0x170;
	s16 =	smov.u32 s13;
	s13 =	sadd.s32 $0x10, s13  }
.Ltmp0:
0x1f: {  	s16 =	sand.u32 $0x70, s16;
	s15 =	sadd.s32 s12, s15;
	(pc) =	sbr.rel @p0 .LBB2_3-.Ltmp0, $4  }
0x20: {  	s15 =	sor.u32 s16, s15;
	vm0 =	vgt.f32 v6, $1.000000010e-01  }
0x21: {  	v6 =	vld [tilespmem:s15+$0x9000];
	v7 =	vmul.f32 v5, v5;
	v8 =	vnsel vm0, $0x0, v5;
	v9 =	vsel vm0, $0x3F800000, v0;
	v10 =	vmovc v5  }
0x22: {  	v5 =	vld [tilespmem:s15+$0x0];
	v2 =	vadd.f32 v8, v2;
	v1 =	vadd.f32 v9, v1  }
0x23: {  	s14 =	sadd.s32 $0x80, s14;
	v4 =	vadd.f32 v10, v4;
	v3 =	vadd.f32 v7, v3  }
0x24: {  	s11 =	sadd.s32 $0x1, s11  }
0x25: {  	p0 =	sne.s32 s11, $0x60  }
.Ltmp1:
0x26: {  	_ = 	snop;
	(pc) =	sbr.rel @p0 .LBB2_2-.Ltmp1, $4  }
0x27: {  	vm0 =	vgt.f32 v6, $1.000000010e-01  }
0x28: {  	v6 =	vmul.f32 v5, v5;
	v7 =	vnsel vm0, $0x0, v5  }
0x29: {  	v8 =	vsel vm0, $0x3F800000, v0;
	v4 =	vadd.f32 v5, v4;
	v2 =	vadd.f32 v7, v2  }
0x2a: {  	v1 =	vadd.f32 v8, v1;
	v3 =	vadd.f32 v6, v3  }
0x2b: {  	[tilespmem:$0x12000] =	vst v4  }
0x2c: {  	[tilespmem:$0x12100] =	vst v2;
	s10 =	sadd.s32 $0x1, s10  }
0x2d: {  	[tilespmem:$0x12080] =	vst v3;
	p0 =	sne.s32 s10, s6  }
.Ltmp2:
0x2e: {  	[tilespmem:$0x12180] =	vst v1;
	(pc) =	sbr.rel @p0 .LBB2_1-.Ltmp2, $4  }
0x2f: {  	[hbm4b:s5+s2] =	stream.linear.scatter [tilespmem:s9], [sflag:$0x1], $0x200, $0x38;
	[tilespmem:$0x12200] =	vst v63  }
0x30: {  	_ =	swait.ge [sflag:s7], $0x200  }
0x31: {  	[sflag:s7] =	ssyncset.done $0x0  }
0x32: {  	[sflag:s7] =	ssyncadd.s32 $0xFFFFFE00  }
0x33: {  	_ =	sfence.sel $0x180000  }
0x34: {  	[bflag:$0x0] =	sbarrier.arrive $0xFFFF  }
0x35: {  	p0 =	sne.s32 s0, $0x0;
	_ =	strace $0x90000047  }
0x36: {  	s0 =	sadd.s32 @!p0 $0x100000, s1;
	[bflag:$0x2] =	sbarrier.arrive $0xFFFF  }
0x37: {  	[sflag:s0] =	ssyncadd.tile.s32 @!p0 $0x1;
	_ =	shalt  }
.Lfunc_end2:
_tile_overlayer_lowered:
.L_overlay_start_2:
0x38: {  	(tag) =	ssettag $0x2  }
0x39: {  	s0 =	rddreg [dreg:$0x0];
	s2 =	stileid.u32  }
0x3a: {  	s1 =	rddreg [dreg:$0x1];
	p0 =	sne.s32 s2, $0x0  }
0x3b: {  	s3 =	rddreg [dreg:$0x2];
	[bflag:$0x3] =	sbarrier.arrive $0xFFFF;
	s2 =	simm.s32 @!p0 $0x1C01  }
0x3c: {  	[timem:s3], [sflag:s2] =	dma.local @!p0 [hbm:s0], s1  }
0x3d: {  	s0 =	simm.s32 @!p0 $0x1  }
0x3e: {  	_ =	swait.ge @!p0 [sflag:s0], s1  }
0x3f: {  	s1 =	ssub.s32 @!p0 $0x0, s1;
	[sflag:s0] =	ssyncset.done @!p0 $0x0  }
0x40: {  	[sflag:s0] =	ssyncadd.s32 @!p0 s1  }
0x41: {  	[bflag:$0x3] =	sbarrier.arrive $0xFFFF  }
0x42: {  	_ =	shalt  }

</sc_bundles>
